<compile_context>
chip_gen: v7x
topology: tpu7x:2x2x1
jax: 0.10.2.dev20260603
libtpu: 0.0.44.dev20260713+nightly
codegen_flags: <defaults>
</compile_context>

<pallas_src>
import jax
import jax.numpy as jnp
from jax import lax
from jax.experimental import pallas as pl
from jax.experimental.pallas import tpu as pltpu
from jax.experimental.pallas import tpu_sc as plsc

_B = 16384
_F = 64
_NC = 2
_NS = 16
_L = 16
_NW = _NC * _NS
_BPW = _B // _NW
_NGRP = _BPW // _L
_BLK = 8192


def _sc_body(idx_hbm, pop_hbm, out_hbm, idx_v, pops_v, out_v, sem, gsem):
    wid = lax.axis_index("s") * _NC + lax.axis_index("c")
    base = wid * _BPW
    pltpu.sync_copy(idx_hbm.at[pl.ds(base, _BPW)], idx_v)
    c_pop = pltpu.async_copy(pop_hbm.at[idx_v], pops_v, gsem)
    c_pop.wait()

    def grp_body(g, carry):
        pops = pops_v[pl.ds(g * _L, _L)]
        bits = plsc.bitcast(pops, jnp.int32)
        y = plsc.bitcast(jnp.int32(0x5F3759DF) - (bits >> 1), jnp.float32)
        y = y * (1.5 - 0.5 * pops * y * y)
        y = y * (1.5 - 0.5 * pops * y * y)
        out_v[pl.ds(g * _L, _L)] = pops * y
        return carry

    lax.fori_loop(0, _NGRP, grp_body, 0)
    pltpu.sync_copy(out_v, out_hbm.at[pl.ds(base, _BPW)])


_sc_gather_sqrt = pl.kernel(
    _sc_body,
    out_type=jax.ShapeDtypeStruct((_B,), jnp.float32),
    mesh=plsc.VectorSubcoreMesh(core_axis_name="c", subcore_axis_name="s"),
    compiler_params=pltpu.CompilerParams(needs_layout_passes=False),
    scratch_types=[
        pltpu.VMEM((_BPW,), jnp.int32),
        pltpu.VMEM((_BPW,), jnp.float32),
        pltpu.VMEM((_BPW,), jnp.float32),
        pltpu.SemaphoreType.DMA,
        pltpu.SemaphoreType.DMA,
    ],
)


def _tc_dense_body(ut_ref, it_ref, wu_ref, wi_ref, out_ref):
    u = ut_ref[...]
    i = it_ref[...]
    wu = wu_ref[...]
    wi = wi_ref[...]
    du = jnp.dot(wu, u, preferred_element_type=jnp.float32)
    di = jnp.dot(wi, i, preferred_element_type=jnp.float32)
    den = (1.0 + jnp.exp(-du)) * (1.0 + jnp.exp(-di))
    out_ref[...] = 1.0 / den + 1.0


_tc_dense = pl.pallas_call(
    _tc_dense_body,
    out_shape=jax.ShapeDtypeStruct((1, _B), jnp.float32),
    grid=(_B // _BLK,),
    in_specs=[
        pl.BlockSpec((_F, _BLK), lambda b: (0, b)),
        pl.BlockSpec((_F, _BLK), lambda b: (0, b)),
        pl.BlockSpec((1, _F), lambda b: (0, 0)),
        pl.BlockSpec((1, _F), lambda b: (0, 0)),
    ],
    out_specs=pl.BlockSpec((1, _BLK), lambda b: (0, b)),
)


def _tc_comb_body(s_ref, q_ref, ic_ref, out_ref):
    out_ref[...] = s_ref[...] * q_ref[...] + ic_ref[0]


_tc_comb = pl.pallas_call(
    _tc_comb_body,
    out_shape=jax.ShapeDtypeStruct((_B // 128, 128), jnp.float32),
    in_specs=[
        pl.BlockSpec((_B // 128, 128), lambda: (0, 0)),
        pl.BlockSpec((_B // 128, 128), lambda: (0, 0)),
        pl.BlockSpec(memory_space=pltpu.SMEM),
    ],
    out_specs=pl.BlockSpec((_B // 128, 128), lambda: (0, 0)),
)


@jax.jit
def kernel(users, items, item_pop_idx, W_user, W_item, intercept, popularity):
    idx = item_pop_idx.astype(jnp.int32)
    sqrt_pops = _sc_gather_sqrt(idx, popularity)
    scores = _tc_dense(users.T, items.T,
                       W_user.astype(jnp.float32).T,
                       W_item.astype(jnp.float32).T)
    icpt = intercept.astype(jnp.float32).reshape(1)
    out2d = _tc_comb(scores.reshape(_B // 128, 128),
                     sqrt_pops.reshape(_B // 128, 128), icpt)
    return out2d.reshape(_B)

# --- scband reference (transcript-rebuilt; emitter-appended) ---
"""Pipeline reference for scband-pdaestimator-5093831213807 (READ-ONLY COPY).

The authoritative reference and input builder live on the scoring server;
editing this copy changes nothing except your own understanding.
"""

import jax, jax.numpy as jnp
import numpy as np

TAU = 0.5
EPS = 1e-05

def setup_inputs(seed: int = 0) -> dict:
    key = jax.random.key(seed)
    k1, k2, k3, k4, k5, k6 = jax.random.split(key, 6)
    B, F, V = 16384, 64, 1000000
    users = jax.random.normal(k1, (B, F), dtype=jnp.float32)
    items = jax.random.normal(k2, (B, F), dtype=jnp.float32)
    item_pop_idx = jax.random.randint(k3, (B,), 0, V)
    W_user = jax.random.normal(k4, (F, 1), dtype=jnp.float32) * 0.05
    W_item = jax.random.normal(k5, (F, 1), dtype=jnp.float32) * 0.05
    intercept = jnp.zeros([], dtype=jnp.float32)
    pop = jax.random.uniform(k6, (V,), dtype=jnp.float32)
    pop = (pop - jnp.min(pop)) / (jnp.max(pop) - jnp.min(pop))
    popularity = jnp.clip(pop, EPS, 1.0)
    return {"users": users, "items": items, "item_pop_idx": item_pop_idx,
            "W_user": W_user, "W_item": W_item, "intercept": intercept,
            "popularity": popularity}


def reference(users, items, item_pop_idx, W_user, W_item, intercept, popularity):
    # beta_user = Dense(1, sigmoid, no bias)(users)
    beta_user = jax.nn.sigmoid(users @ W_user)            # [B, 1]
    beta_item = jax.nn.sigmoid(items @ W_item)            # [B, 1]
    scores = jax.nn.elu(jnp.sum(beta_user * beta_item, axis=1)) + 1.0  # [B]
    pops = jnp.take(popularity, item_pop_idx, axis=0)     # gather from popularity table
    logits = scores * jnp.power(pops, TAU) + intercept
    return logits

if __name__ == "__main__":
    import jax
    _d = setup_inputs()
    print(jax.jit(kernel)(*tuple(_d.values())))

</pallas_src>

<mosaic_0001>
#map = affine_map<(d0, d1) -> (0)>
module attributes {stable_mosaic.version = 14 : i64} {
  func.func @_sc_body(%arg0: i32, %arg1: i32, %arg2: memref<16384xi32, #tpu.memory_space<hbm>>, %arg3: memref<1000000xf32, #tpu.memory_space<hbm>>, %arg4: memref<16384xf32, #tpu.memory_space<hbm>>, %arg5: memref<512xi32, #tpu.memory_space<vmem>>, %arg6: memref<512xf32, #tpu.memory_space<vmem>>, %arg7: memref<512xf32, #tpu.memory_space<vmem>>, %arg8: memref<!tpu.dma_semaphore, #tpu.memory_space<semaphore_mem>>, %arg9: memref<!tpu.dma_semaphore, #tpu.memory_space<semaphore_mem>>) attributes {dimension_semantics = [#tpu.dimension_semantics<core_parallel>, #tpu.dimension_semantics<subcore_parallel>], iteration_bounds = array<i64: 2, 16>, scalar_prefetch = 0 : i64, scratch_operands = 5 : i64, tpu.core_type = #tpu.core_type<sc_vector_subcore>, window_params = [{transform_indices = #map}, {transform_indices = #map}, {transform_indices = #map}]} {
    %mul3A = arith.constant 2 : i32
    %mul3A_0 = arith.muli %arg1, %mul3A : i32
    %add3A = arith.addi %mul3A_0, %arg0 : i32
    %mul3A_1 = arith.constant 512 : i32
    %mul3A_2 = arith.muli %add3A, %mul3A_1 : i32
    "tpu.region"() ({
      %run_scoped3A = tpu.sem_alloc : memref<!tpu.dma_semaphore, #tpu.memory_space<semaphore_mem>>
      %dma_start3A_10 = tpu.memref_slice %arg2[%mul3A_2] : memref<16384xi32, #tpu.memory_space<hbm>> -> memref<512xi32, #tpu.memory_space<hbm>>
      %dma_start3A_11 = tpu.memref_slice %arg2[%mul3A_2] : memref<16384xi32, #tpu.memory_space<hbm>> -> memref<512xi32, #tpu.memory_space<hbm>>
      tpu.enqueue_dma source(%dma_start3A_11 : memref<512xi32, #tpu.memory_space<hbm>>) target(%arg5 : memref<512xi32, #tpu.memory_space<vmem>>) target_semaphore(%run_scoped3A : memref<!tpu.dma_semaphore, #tpu.memory_space<semaphore_mem>>)
      %dma_wait3A_12 = tpu.memref_slice %arg2[%mul3A_2] : memref<16384xi32, #tpu.memory_space<hbm>> -> memref<512xi32, #tpu.memory_space<hbm>>
      %dma_wait3A_13 = tpu.memref_slice %arg2[%mul3A_2] : memref<16384xi32, #tpu.memory_space<hbm>> -> memref<512xi32, #tpu.memory_space<hbm>>
      tpu.wait_dma2 semaphore(%run_scoped3A : memref<!tpu.dma_semaphore, #tpu.memory_space<semaphore_mem>>) src(%dma_wait3A_13 : memref<512xi32, #tpu.memory_space<hbm>>) dst(%arg5 : memref<512xi32, #tpu.memory_space<vmem>>)
      tpu.yield
    }) : () -> ()
    %dma_start3A = arith.constant 0 : i32
    %dma_start3A_3 = tpu.memref_slice %arg3[%dma_start3A] : memref<1000000xf32, #tpu.memory_space<hbm>> -> memref<1000000xf32, #tpu.memory_space<hbm>>
    tpu.enqueue_indirect_dma source(%dma_start3A_3 : memref<1000000xf32, #tpu.memory_space<hbm>>) target(%arg6 : memref<512xf32, #tpu.memory_space<vmem>>) offsets(%arg5 : memref<512xi32, #tpu.memory_space<vmem>>) semaphore(%arg9 : memref<!tpu.dma_semaphore, #tpu.memory_space<semaphore_mem>>)
    %dma_wait3A = arith.constant 0 : i32
    %dma_wait3A_4 = tpu.memref_slice %arg3[%dma_wait3A] : memref<1000000xf32, #tpu.memory_space<hbm>> -> memref<1000000xf32, #tpu.memory_space<hbm>>
    tpu.wait_indirect_dma semaphore(%arg9 : memref<!tpu.dma_semaphore, #tpu.memory_space<semaphore_mem>>) src(%dma_wait3A_4 : memref<1000000xf32, #tpu.memory_space<hbm>>) dst(%arg6 : memref<512xf32, #tpu.memory_space<vmem>>)
    %scan3A = arith.constant 0 : i32
    %scan3A_5 = arith.constant 0 : i32
    %scan3A_6 = arith.constant 32 : i32
    %scan3A_7 = arith.addi %scan3A_5, %scan3A_6 : i32
    %scan3A_8 = arith.constant 1 : i32
    scf.for %scan3A_10 = %scan3A_5 to %scan3A_7 step %scan3A_8  : i32 {
      %mul3A_11 = arith.constant 16 : i32
      %mul3A_12 = arith.muli %scan3A_10, %mul3A_11 : i32
      %get3A = arith.index_cast %mul3A_12 : i32 to index
      %get3A_13 = tpu.vector_load %arg6[%get3A] {strides = array<i32>} : memref<512xf32, #tpu.memory_space<vmem>>, vector<16xf32>,
      %bitcast3A = vector.bitcast %get3A_13 : vector<16xf32> to vector<16xi32>
      %shift_right_arithmetic3A = arith.constant 1 : i32
      %shift_right_arithmetic3A_14 = vector.broadcast %shift_right_arithmetic3A : i32 to vector<16xi32>
      %shift_right_arithmetic3A_15 = arith.shrsi %bitcast3A, %shift_right_arithmetic3A_14 : vector<16xi32>
      %sub3A = arith.constant 1597463007 : i32
      %sub3A_16 = vector.broadcast %sub3A : i32 to vector<16xi32>
      %sub3A_17 = arith.subi %sub3A_16, %shift_right_arithmetic3A_15 : vector<16xi32>
      %bitcast3A_18 = vector.bitcast %sub3A_17 : vector<16xi32> to vector<16xf32>
      %mul3A_19 = arith.constant 5.000000e-01 : f32
      %mul3A_20 = vector.broadcast %mul3A_19 : f32 to vector<16xf32>
      %mul3A_21 = arith.mulf %mul3A_20, %get3A_13 : vector<16xf32>
      %mul3A_22 = arith.mulf %mul3A_21, %bitcast3A_18 : vector<16xf32>
      %mul3A_23 = arith.mulf %mul3A_22, %bitcast3A_18 : vector<16xf32>
      %sub3A_24 = arith.constant 1.500000e+00 : f32
      %sub3A_25 = vector.broadcast %sub3A_24 : f32 to vector<16xf32>
      %sub3A_26 = arith.subf %sub3A_25, %mul3A_23 : vector<16xf32>
      %mul3A_27 = arith.mulf %bitcast3A_18, %sub3A_26 : vector<16xf32>
      %mul3A_28 = arith.constant 5.000000e-01 : f32
      %mul3A_29 = vector.broadcast %mul3A_28 : f32 to vector<16xf32>
      %mul3A_30 = arith.mulf %mul3A_29, %get3A_13 : vector<16xf32>
      %mul3A_31 = arith.mulf %mul3A_30, %mul3A_27 : vector<16xf32>
      %mul3A_32 = arith.mulf %mul3A_31, %mul3A_27 : vector<16xf32>
      %sub3A_33 = arith.constant 1.500000e+00 : f32
      %sub3A_34 = vector.broadcast %sub3A_33 : f32 to vector<16xf32>
      %sub3A_35 = arith.subf %sub3A_34, %mul3A_32 : vector<16xf32>
      %mul3A_36 = arith.mulf %mul3A_27, %sub3A_35 : vector<16xf32>
      %mul3A_37 = arith.mulf %get3A_13, %mul3A_36 : vector<16xf32>
      %mul3A_38 = arith.constant 16 : i32
      %mul3A_39 = arith.muli %scan3A_10, %mul3A_38 : i32
      %swap3A = arith.index_cast %mul3A_39 : i32 to index
      %swap3A_40 = tpu.vector_load %arg7[%swap3A] {strides = array<i32>} : memref<512xf32, #tpu.memory_space<vmem>>, vector<16xf32>,
      tpu.vector_store %arg7[%swap3A], %mul3A_37 {strides = array<i32>} : memref<512xf32, #tpu.memory_space<vmem>>, vector<16xf32>,
    }
    %scan3A_9 = arith.constant 32 : i32
    "tpu.region"() ({
      %run_scoped3A = tpu.sem_alloc : memref<!tpu.dma_semaphore, #tpu.memory_space<semaphore_mem>>
      %dma_start3A_10 = tpu.memref_slice %arg4[%mul3A_2] : memref<16384xf32, #tpu.memory_space<hbm>> -> memref<512xf32, #tpu.memory_space<hbm>>
      %dma_start3A_11 = tpu.memref_slice %arg4[%mul3A_2] : memref<16384xf32, #tpu.memory_space<hbm>> -> memref<512xf32, #tpu.memory_space<hbm>>
      tpu.enqueue_dma source(%arg7 : memref<512xf32, #tpu.memory_space<vmem>>) target(%dma_start3A_11 : memref<512xf32, #tpu.memory_space<hbm>>) target_semaphore(%run_scoped3A : memref<!tpu.dma_semaphore, #tpu.memory_space<semaphore_mem>>)
      %dma_wait3A_12 = tpu.memref_slice %arg4[%mul3A_2] : memref<16384xf32, #tpu.memory_space<hbm>> -> memref<512xf32, #tpu.memory_space<hbm>>
      %dma_wait3A_13 = tpu.memref_slice %arg4[%mul3A_2] : memref<16384xf32, #tpu.memory_space<hbm>> -> memref<512xf32, #tpu.memory_space<hbm>>
      tpu.wait_dma2 semaphore(%run_scoped3A : memref<!tpu.dma_semaphore, #tpu.memory_space<semaphore_mem>>) src(%arg7 : memref<512xf32, #tpu.memory_space<vmem>>) dst(%dma_wait3A_13 : memref<512xf32, #tpu.memory_space<hbm>>)
      tpu.yield
    }) : () -> ()
    return
  }
}

module attributes {stable_mosaic.version = 14 : i64} {
  func.func @_tc_comb_body(%arg0: memref<128x128xf32, #tpu.memory_space<vmem>>, %arg1: memref<128x128xf32, #tpu.memory_space<vmem>>, %arg2: memref<1xf32, #tpu.memory_space<smem>>, %arg3: memref<128x128xf32, #tpu.memory_space<vmem>>) attributes {dimension_semantics = [], scalar_prefetch = 0 : i64, scratch_operands = 0 : i64, tpu.core_type = #tpu.core_type<tc>} {
    %get3A = arith.constant 0 : index
    %get3A_0 = arith.constant 0 : index
    %get3A_1 = vector.load %arg0[%get3A, %get3A_0] : memref<128x128xf32, #tpu.memory_space<vmem>>, vector<128x128xf32>
    %get3A_2 = arith.constant 0 : index
    %get3A_3 = arith.constant 0 : index
    %get3A_4 = vector.load %arg1[%get3A_2, %get3A_3] : memref<128x128xf32, #tpu.memory_space<vmem>>, vector<128x128xf32>
    %mul3A = arith.mulf %get3A_1, %get3A_4 : vector<128x128xf32>
    %get3A_5 = arith.constant 0 : index
    %get3A_6 = memref.load %arg2[%get3A_5] : memref<1xf32, #tpu.memory_space<smem>>
    %add3A = vector.broadcast %get3A_6 : f32 to vector<128x128xf32>
    %add3A_7 = arith.addf %mul3A, %add3A : vector<128x128xf32>
    %swap3A = arith.constant 0 : index
    %swap3A_8 = arith.constant 0 : index
    %swap3A_9 = vector.load %arg3[%swap3A, %swap3A_8] : memref<128x128xf32, #tpu.memory_space<vmem>>, vector<128x128xf32>
    tpu.vector_store %arg3[%swap3A, %swap3A_8], %add3A_7 {strides = array<i32>} : memref<128x128xf32, #tpu.memory_space<vmem>>, vector<128x128xf32>,
    return
  }
}

module attributes {stable_mosaic.version = 14 : i64} {
  func.func @_tc_dense_body(%arg0: i32, %arg1: memref<64x8192xf32, #tpu.memory_space<vmem>>, %arg2: memref<64x8192xf32, #tpu.memory_space<vmem>>, %arg3: memref<1x64xf32, #tpu.memory_space<vmem>>, %arg4: memref<1x64xf32, #tpu.memory_space<vmem>>, %arg5: memref<1x8192xf32, #tpu.memory_space<vmem>>) attributes {dimension_semantics = [#tpu.dimension_semantics<arbitrary>], iteration_bounds = array<i64: 2>, scalar_prefetch = 0 : i64, scratch_operands = 0 : i64, tpu.core_type = #tpu.core_type<tc>, window_params = [{transform_indices = @transform_0, window_bounds = array<i64: 64, 8192>}, {transform_indices = @transform_1, window_bounds = array<i64: 64, 8192>}, {pipeline_mode = #tpu.pipeline_mode<synchronous>, transform_indices = @transform_2, window_bounds = array<i64: 1, 64>}, {pipeline_mode = #tpu.pipeline_mode<synchronous>, transform_indices = @transform_3, window_bounds = array<i64: 1, 64>}, {transform_indices = @transform_4, window_bounds = array<i64: 1, 8192>}]} {
    %get3A = arith.constant 0 : index
    %get3A_0 = arith.constant 0 : index
    %get3A_1 = vector.load %arg1[%get3A, %get3A_0] : memref<64x8192xf32, #tpu.memory_space<vmem>>, vector<64x8192xf32>
    %get3A_2 = arith.constant 0 : index
    %get3A_3 = arith.constant 0 : index
    %get3A_4 = vector.load %arg2[%get3A_2, %get3A_3] : memref<64x8192xf32, #tpu.memory_space<vmem>>, vector<64x8192xf32>
    %get3A_5 = arith.constant 0 : index
    %get3A_6 = arith.constant 0 : index
    %get3A_7 = vector.load %arg3[%get3A_5, %get3A_6] : memref<1x64xf32, #tpu.memory_space<vmem>>, vector<1x64xf32>
    %get3A_8 = arith.constant 0 : index
    %get3A_9 = arith.constant 0 : index
    %get3A_10 = vector.load %arg4[%get3A_8, %get3A_9] : memref<1x64xf32, #tpu.memory_space<vmem>>, vector<1x64xf32>
    %dot_general3A = arith.constant dense<0.000000e+00> : vector<1x8192xf32>
    %dot_general3A_11 = tpu.matmul %get3A_7, %get3A_1, %dot_general3A {dimension_numbers = #tpu.dot_dimension_numbers<[1], [0], [0], [1], [0, 0, 1, 1], [], []>, transpose_lhs_hint = false} : vector<1x64xf32>, vector<64x8192xf32>, vector<1x8192xf32> -> vector<1x8192xf32>
    %dot_general3A_12 = arith.constant dense<0.000000e+00> : vector<1x8192xf32>
    %dot_general3A_13 = tpu.matmul %get3A_10, %get3A_4, %dot_general3A_12 {dimension_numbers = #tpu.dot_dimension_numbers<[1], [0], [0], [1], [0, 0, 1, 1], [], []>, transpose_lhs_hint = false} : vector<1x64xf32>, vector<64x8192xf32>, vector<1x8192xf32> -> vector<1x8192xf32>
    %neg3A = arith.constant 0.000000e+00 : f32
    %neg3A_14 = vector.broadcast %neg3A : f32 to vector<1x8192xf32>
    %neg3A_15 = arith.subf %neg3A_14, %dot_general3A_11 : vector<1x8192xf32>
    %exp3A = math.exp %neg3A_15 : vector<1x8192xf32>
    %add3A = arith.constant 1.000000e+00 : f32
    %add3A_16 = vector.broadcast %add3A : f32 to vector<1x8192xf32>
    %add3A_17 = arith.addf %add3A_16, %exp3A : vector<1x8192xf32>
    %neg3A_18 = arith.constant 0.000000e+00 : f32
    %neg3A_19 = vector.broadcast %neg3A_18 : f32 to vector<1x8192xf32>
    %neg3A_20 = arith.subf %neg3A_19, %dot_general3A_13 : vector<1x8192xf32>
    %exp3A_21 = math.exp %neg3A_20 : vector<1x8192xf32>
    %add3A_22 = arith.constant 1.000000e+00 : f32
    %add3A_23 = vector.broadcast %add3A_22 : f32 to vector<1x8192xf32>
    %add3A_24 = arith.addf %add3A_23, %exp3A_21 : vector<1x8192xf32>
    %mul3A = arith.mulf %add3A_17, %add3A_24 : vector<1x8192xf32>
    %div3A = arith.constant 1.000000e+00 : f32
    %div3A_25 = vector.broadcast %div3A : f32 to vector<1x8192xf32>
    %div3A_26 = arith.divf %div3A_25, %mul3A : vector<1x8192xf32>
    %add3A_27 = arith.constant 1.000000e+00 : f32
    %add3A_28 = vector.broadcast %add3A_27 : f32 to vector<1x8192xf32>
    %add3A_29 = arith.addf %div3A_26, %add3A_28 : vector<1x8192xf32>
    %swap3A = arith.constant 0 : index
    %swap3A_30 = arith.constant 0 : index
    %swap3A_31 = vector.load %arg5[%swap3A, %swap3A_30] : memref<1x8192xf32, #tpu.memory_space<vmem>>, vector<1x8192xf32>
    tpu.vector_store %arg5[%swap3A, %swap3A_30], %add3A_29 {strides = array<i32>} : memref<1x8192xf32, #tpu.memory_space<vmem>>, vector<1x8192xf32>,
    return
  }
  func.func @transform_0(%arg0: i32) -> (i32, i32) {
    %c0_i32 = arith.constant 0 : i32
    %c0_i32_0 = arith.constant 0 : i32
    return %c0_i32, %arg0 : i32, i32
  }
  func.func @transform_1(%arg0: i32) -> (i32, i32) {
    %c0_i32 = arith.constant 0 : i32
    %c0_i32_0 = arith.constant 0 : i32
    return %c0_i32, %arg0 : i32, i32
  }
  func.func @transform_2(%arg0: i32) -> (i32, i32) {
    %c0_i32 = arith.constant 0 : i32
    %c0_i32_0 = arith.constant 0 : i32
    %c0_i32_1 = arith.constant 0 : i32
    return %c0_i32, %c0_i32_0 : i32, i32
  }
  func.func @transform_3(%arg0: i32) -> (i32, i32) {
    %c0_i32 = arith.constant 0 : i32
    %c0_i32_0 = arith.constant 0 : i32
    %c0_i32_1 = arith.constant 0 : i32
    return %c0_i32, %c0_i32_0 : i32, i32
  }
  func.func @transform_4(%arg0: i32) -> (i32, i32) {
    %c0_i32 = arith.constant 0 : i32
    %c0_i32_0 = arith.constant 0 : i32
    return %c0_i32, %arg0 : i32, i32
  }
}

</mosaic_0001>

<sc_bundles>
// kernel: kernel.5.cloned.1.call-start
scs
__scs_entry_jumppad:
0x0: {  	(pc) =	sbr.rel $0x88, $3  }
0x1: {  	(tag) =	ssettag $0x0;
	lr =	simm.s32 $0x1  }
0x2: {  	[smem:$0x3F9A] =	sst lr;
	_ =	strace $0xD0000000  }
0x3: {  	_ = 	snop  }
0x4: {  	_ = 	snop  }
0x5: {  	_ = 	snop  }
0x6: {  	_ = 	snop  }
0x7: {  	_ = 	snop  }
__scs_overlays_trampoline_lowered:
0x8: {  	[smem:$0x3FA9] =	sst s0  }
0x9: {  	[smem:$0x3FAA] =	sst s1  }
0xa: {  	[smem:$0x3FAB] =	sst s2  }
0xb: {  	[smem:$0x3FAC] =	sst s3  }
0xc: {  	[smem:$0x3FAD] =	sst s4  }
0xd: {  	[smem:$0x3FAE] =	sst s5  }
0xe: {  	[smem:$0x3FAF] =	sst s6  }
0xf: {  	[smem:$0x3FB0] =	sst s7  }
0x10: {  	[smem:$0x3FB1] =	sst s8  }
0x11: {  	[smem:$0x3FB2] =	sst s9;
	s0 =	simm.s32 @!p0 $0x0  }
0x12: {  	s1 =	sld [smem:$0x3F98];
	s0 =	simm.s32 @p0 $0x1  }
0x13: {  	[smem:$0x3FB3] =	sst s0;
	s0 =	simm.s32 @!p1 $0x0  }
0x14: {  	s2 =	sld [smem:$0x3F97];
	s0 =	simm.s32 @p1 $0x1  }
0x15: {  	[smem:$0x3FB4] =	sst s0;
	s0 =	simm.s32 @!p2 $0x0  }
0x16: {  	s3 =	sld [smem:$0x3FDB];
	s0 =	simm.s32 @p2 $0x1  }
0x17: {  	s4 =	simm.s32 $0x1BF5;
	[smem:$0x3FB6] =	sst s0  }
0x18: {  	s0 =	sld [smem:$0x3F99];
	_ =	swait.ge [sflag:s4], $0x0  }
0x19: {  	s7 =	sld [smem:$0x3F9A]  }
0x1a: {  	s8 =	sadd.s32 $0xFFFFE003, lr  }
0x1b: {  	s9 =	sadd.s32 $0xFFFFFEF7, lr;
	s5 =	simm.s32 $0xFFFFFFFF;
	p2 =	slt.u32 s8, $0xFFFFF086  }
0x1c: {  	p1 =	slt.u32 s9, $0xF7A;
	s5 =	simm.s32 @!p2 $0x0  }
0x1d: {  	s5 =	simm.s32 @p1 $0x1;
	p0 =	seq.s32 s7, s2  }
0x1e: {  	s7 =	smul.u32 @!p0 $0xF7A, s2;
	p2 =	seq.s32 @!p0 s5, $0x0  }
0x1f: {  	s9 =	smul.u32 $0xF7A, s1;
	s8 =	simm.s32 @!p0 $0x1BF5;
	p2 =	por !p2, p0  }
0x20: {  	[sflag:s8] =	ssyncset.s32 @!p0 $0xFFFFF086;
	s6 =	sadd.s32 @!p0 s3, s7;
	s7 =	simm.s32 @!p0 $0x108  }
0x21: {  	s3 =	sadd.s32 s3, s9;
	s6 =	sadd.s32 @!p0 $0x88, s6;
	s7 =	simm.s32 @p2 $0x1082  }
0x22: {  	[simem:s7], [sflag:s8] =	dma.local @!p0 [hbm:s6], $0xF7A  }
0x23: {  	s9 =	sor.u32 $0xD0000000, s2;
	s6 =	simm.s32 $0x108;
	_ =	swait.ge @!p0 [sflag:s8], $0x0  }
0x24: {  	s3 =	sadd.s32 $0x88, s3;
	s6 =	simm.s32 @!p1 $0x1082;
	[sflag:s4] =	ssyncset.s32 $0xFFFFF086  }
0x25: {  	[simem:s6], [sflag:s4] =	dma.local [hbm:s3], $0xF7A  }
0x26: {  	[smem:$0x3F9A] =	sst s1;
	(tag) =	ssettag s2;
	_ =	strace s9  }
0x27: {  	s1 =	sld [smem:$0x3FAA]  }
0x28: {  	s2 =	sld [smem:$0x3FAB]  }
0x29: {  	s4 =	sld [smem:$0x3FAD]  }
0x2a: {  	p0 =	seq.s32 s5, $0x0;
	s5 =	sld [smem:$0x3FAE]  }
0x2b: {  	s6 =	sld [smem:$0x3FAF]  }
0x2c: {  	s7 =	sld [smem:$0x3FB0]  }
0x2d: {  	s3 =	simm.s32 $0x108;
	s8 =	sld [smem:$0x3FB1]  }
0x2e: {  	s3 =	simm.s32 @!p0 $0x1082;
	s9 =	sld [smem:$0x3FB2]  }
0x2f: {  	lr =	sadd.s32 s0, s3;
	s0 =	sld [smem:$0x3FA9]  }
0x30: {  	s3 =	sld [smem:$0x3FAC]  }
0x31: {  	[smem:$0x3FB5] =	sst s10  }
0x32: {  	s10 =	sld [smem:$0x3FB3];
	_ =	sdelay $0x3  }
0x33: {  	p0 =	seq.s32 s10, $0x1;
	s10 =	sld [smem:$0x3FB5];
	_ =	sdelay $0x3  }
0x34: {  	[smem:$0x3FB5] =	sst s10  }
0x35: {  	s10 =	sld [smem:$0x3FB4];
	_ =	sdelay $0x3  }
0x36: {  	p1 =	seq.s32 s10, $0x1;
	s10 =	sld [smem:$0x3FB5];
	_ =	sdelay $0x3  }
0x37: {  	[smem:$0x3FB5] =	sst s10  }
0x38: {  	s10 =	sld [smem:$0x3FB6]  }
0x39: {  	_ = 	snop;
	(pc) =	sbr.ind lr, $3  }
0x3a: {  	_ = 	snop  }
0x3b: {  	_ = 	snop  }
0x3c: {  	p2 =	seq.s32 s10, $0x1;
	s10 =	sld [smem:$0x3FB5]  }
0x3d: {  	_ =	shalt  }
0x3e: {  	_ =	shalt  }
0x3f: {  	_ =	shalt  }
0x40: {  	_ =	shalt  }
0x41: {  	_ =	shalt  }
0x42: {  	_ =	shalt  }
0x43: {  	_ =	shalt  }
0x44: {  	_ =	shalt  }
0x45: {  	_ =	shalt  }
0x46: {  	_ =	shalt  }
0x47: {  	_ =	shalt  }
0x48: {  	_ =	shalt  }
0x49: {  	_ =	shalt  }
0x4a: {  	_ =	shalt  }
0x4b: {  	_ =	shalt  }
0x4c: {  	_ =	shalt  }
0x4d: {  	_ =	shalt  }
0x4e: {  	_ =	shalt  }
0x4f: {  	_ =	shalt  }
0x50: {  	_ =	shalt  }
0x51: {  	_ =	shalt  }
0x52: {  	_ =	shalt  }
0x53: {  	_ =	shalt  }
0x54: {  	_ =	shalt  }
0x55: {  	_ =	shalt  }
0x56: {  	_ =	shalt  }
0x57: {  	_ =	shalt  }
0x58: {  	_ =	shalt  }
0x59: {  	_ =	shalt  }
0x5a: {  	_ =	shalt  }
0x5b: {  	_ =	shalt  }
0x5c: {  	_ =	shalt  }
0x5d: {  	_ =	shalt  }
0x5e: {  	_ =	shalt  }
0x5f: {  	_ =	shalt  }
0x60: {  	_ =	shalt  }
0x61: {  	_ =	shalt  }
0x62: {  	_ =	shalt  }
0x63: {  	_ =	shalt  }
0x64: {  	_ =	shalt  }
0x65: {  	_ =	shalt  }
0x66: {  	_ =	shalt  }
0x67: {  	_ =	shalt  }
0x68: {  	_ =	shalt  }
0x69: {  	_ =	shalt  }
0x6a: {  	_ =	shalt  }
0x6b: {  	_ =	shalt  }
0x6c: {  	_ =	shalt  }
0x6d: {  	_ =	shalt  }
0x6e: {  	_ =	shalt  }
0x6f: {  	_ =	shalt  }
0x70: {  	_ =	shalt  }
0x71: {  	_ =	shalt  }
0x72: {  	_ =	shalt  }
0x73: {  	_ =	shalt  }
0x74: {  	_ =	shalt  }
0x75: {  	_ =	shalt  }
0x76: {  	_ =	shalt  }
0x77: {  	_ =	shalt  }
0x78: {  	_ =	shalt  }
0x79: {  	_ =	shalt  }
0x7a: {  	_ =	shalt  }
0x7b: {  	_ =	shalt  }
0x7c: {  	_ =	shalt  }
0x7d: {  	_ =	shalt  }
0x7e: {  	_ =	shalt  }
0x7f: {  	_ =	shalt  }
0x80: {  	_ =	shalt  }
0x81: {  	_ =	shalt  }
0x82: {  	_ =	shalt  }
0x83: {  	_ =	shalt  }
0x84: {  	_ =	shalt  }
0x85: {  	_ =	shalt  }
0x86: {  	_ =	shalt  }
0x87: {  	_ =	shalt  }
.Lfunc_end0:
.L_simem_size_0:
called_computation_lowered:
.L_overlay_start_0:
0x88: {  	s2 =	sld [smem:$0x3FD9]  }
0x89: {  	s3 =	sld [smem:$0x3FFE];
	_ =	sdelay $0x1  }
0x8a: {  	s1 =	srdreg.scid  }
0x8b: {  	s0 =	sand.u32 $0x1, s1  }
0x8c: {  	s18 =	sshll.u32 s0, $0xA;
	s2 =	sadd.s32 s3, s2  }
0x8d: {  	s2 =	sadd.s32 s2, s18  }
0x8e: {  	[smem:$0x3FC1] =	sst s2  }
0x8f: {  	_ = 	snop  }
0x90: {  	s2 =	sld [smem:$0x3FC7]  }
0x91: {  	s19 =	sld [smem:$0x3FC3]  }
0x92: {  	s4 =	sld [smem:$0x3FD0];
	(tm) =	ssettm $0x1  }
0x93: {  	s5 =	sld [smem:$0x3FFB];
	_ =	sdelay $0x3  }
0x94: {  	_ =	strace s5  }
0x95: {  	s5 =	sld [smem:$0x3FFC];
	_ =	sdelay $0x3  }
0x96: {  	_ =	strace s5  }
0x97: {  	s5 =	sld [smem:$0x3FFD];
	_ =	sdelay $0x3  }
0x98: {  	_ =	strace s5  }
0x99: {  	_ =	strace $0x8FFFFFFF  }
0x9a: {  	s20 =	sld [smem:$0x3FDB];
	_ =	sdelay $0x1  }
0x9b: {  	s6 =	simm.s32 $_scs_section_size  }
0x9c: {  	s7 =	simm.s32 $_size__tile_overlayer_lowered;
	s8 =	simm.s32 $_tile_overlayer_lowered  }
0x9d: {  	s23 =	simm.s32 $0x1BFF;
	s22 =	sshll.u32 s8, $0x1;
	s5 =	sadd.s32 s6, s20  }
0x9e: {  	s9 =	simm.s32 $0x0;
	s21 =	sshll.u32 s7, $0x1;
	s7 =	sadd.s32 s22, s5  }
0x9f: {  	[timem:s9], [sflag:s23] =	dma.local [hbm:s7], s21  }
0xa0: {  	_ =	swait.ge [sflag:s23], s21  }
0xa1: {  	s6 =	ssub.s32 $0x0, s21;
	[sflag:s23] =	ssyncset.done $0x0  }
0xa2: {  	[sflag:s23] =	ssyncadd.s32 s6;
	_ =	sdelay $0x1  }
0xa3: {  	s24 =	simm.s32 $0x1B8B  }
0xa4: {  	_ =	swait.ge [sflag:s24], $0x1  }
0xa5: {  	[sflag:s24] =	ssyncset.done $0x0  }
0xa6: {  	s25 =	simm.s32 $0x1B8E;
	[sflag:s24] =	ssyncadd.s32 $0xFFFFFFFF  }
0xa7: {  	s26 =	simm.s32 $execute0_lowered;
	[smem:$0x3FD2] =	sst s25  }
0xa8: {  	s6 =	sshll.u32 s26, $0x1;
	_ =	strace $0x80000046;
	[dreg:$0x1] =	wrdreg $0xFFFFFFFF  }
0xa9: {  	s28 =	simm.s32 $_size_execute0_lowered;
	s5 =	sadd.s32 s5, s6;
	[dreg:$0x0] =	wrdreg $0x0  }
0xaa: {  	s6 =	sshll.u32 s28, $0x1;
	[dreg:$0x2] =	wrdreg s5  }
0xab: {  	[dreg:$0x3] =	wrdreg s6  }
0xac: {  	[dreg:$0x4] =	wrdreg $0xC0  }
0xad: {  	_ =	task [dreg:s9], $0x5FFFF  }
0xae: {  	[dreg:$0x1] =	wrdreg $0xFFFFFFFF  }
0xaf: {  	[dreg:$0x0] =	wrdreg $0x60  }
0xb0: {  	[dreg:$0x2] =	wrdreg s2  }
0xb1: {  	[dreg:$0x3] =	wrdreg s19  }
0xb2: {  	[dreg:$0x4] =	wrdreg s4  }
0xb3: {  	[dreg:$0x5] =	wrdreg $0x9  }
0xb4: {  	_ =	task.clear_ibuf [dreg:s9], $0x6FFFF;
	_ =	strace $0x90000046  }
0xb5: {  	s29 =	simm.s32 $0x9;
	_ =	strace $0x80000048  }
0xb6: {  	_ =	swait.ge [sflag:s29], $0x1  }
0xb7: {  	[sflag:s29] =	ssyncadd.s32 $0xFFFFFFFF  }
0xb8: {  	_ =	strace $0x90000048  }
0xb9: {  	_ =	sfence  }
0xba: {  	s30 =	sld [smem:$0x0];
	_ =	sdelay $0x2  }
0xbb: {  	s31 =	sshll.u32 s1, $0xD;
	s1 =	sshrl.u32 s1, $0x2  }
0xbc: {  	s3 =	sand.u32 $0x4000, s31;
	s1 =	sadd.s32 s1, s30  }
0xbd: {  	s0 =	sor.u32 s3, s0;
	s1 =	sshll.u32 s1, $0x11  }
0xbe: {  	s0 =	sor.u32 s1, s0  }
0xbf: {  	s0 =	sadd.s32 $0x8F2B, s0  }
0xc0: {  	[sflag:s0] =	ssyncadd.remote.s32 $0x1  }
0xc1: {  	_ =	sfence.sel $0xFFFF  }
0xc2: {  	[dreg:$0x0] =	wrdreg $0xFFFFFFFF;
	(pc) =	sbr.abs _section_cstart, $3  }
0xc3: {  	[dreg:$0x1] =	wrdreg $0xFFFFFFFF  }
0xc4: {  	_ =	task.clear_ibuf [dreg:s9], $0x2FFFF;
	_ =	strace $0x9FFFFFFF  }
0xc5: {  	(tm) =	ssettm $0x7FFFFFFF  }
tec
execute0_lowered:
.L_overlay_start_1:
0x0: {  	(tag) =	ssettag $0x1  }
0x1: {  	s4 =	rddreg [dreg:$0x0]  }
0x2: {  	s1 =	rddreg [dreg:$0x1]  }
0x3: {  	s5 =	rddreg [dreg:$0x2]  }
0x4: {  	s0 =	rddreg [dreg:$0x3];
	s3 =	simm.s32 $0x0;
	s6 =	srdreg.scid  }
0x5: {  	s2 =	stileid.u32;
	s10 =	simm.s32 $0x400;
	s11 =	simm.s32 $0x0  }
0x6: {  	[smem:$0x7FF] =	sst s3;
	s6 =	sand.u32 $0x1, s6;
	s8 =	sshll.u32 s2, $0x7  }
0x7: {  	s7 =	ssub.s32 $0x2, s6;
	s6 =	sshll.u32 s6, $0x6;
	_ =	strace $0x80000047  }
0x8: {  	s9 =	sshrl.u32 s7, $0x1;
	s6 =	sor.u32 s6, s8;
	s8 =	simm.s32 $0x200  }
0x9: {  	s7 =	ssub.s32 s7, s9;
	s4 =	sadd.s32 s4, s6;
	s5 =	sadd.s32 s5, s6  }
0xa: {  	s9 =	simm.s32 $0x1;
	s6 =	smax.u32 s7, $0x1;
	s7 =	simm.s32 $0x2  }
.LBB2_1:
0xb: {  	[tilespmem:s3], [sflag:$0x2] =	stream.linear.gather [hbm4b:s4+s3], $0x200, $0x38;
	[tilespmem:$0x600] =	vst v63  }
0xc: {  	_ =	swait.ge [sflag:s7], $0x200  }
0xd: {  	[sflag:s7] =	ssyncset.done $0x0  }
0xe: {  	[sflag:s7] =	ssyncadd.s32 $0xFFFFFE00  }
0xf: {  	[tilespmem:s8], [sflag:$0x1] =	stream.indirect.gather [hbm4b:s1+s8], $0x1, s3, s8, $0xb8;
	[tilespmem:$0x600] =	vst v63  }
0x10: {  	_ =	swait.ge [sflag:s9], $0x200  }
0x11: {  	[sflag:s9] =	ssyncset.done $0x0  }
0x12: {  	s13 =	simm.s32 $0x0;
	[sflag:s9] =	ssyncadd.s32 $0xFFFFFE00  }
0x13: {  	v0 =	vld [tilespmem:s13+$0x200];
	_ =	sdelay $0x4  }
0x14: {  	v2 =	vshra.s32 v0, $0x1;
	v3 =	vmul.f32 $5.000000000e-01, v0  }
0x15: {  	s12 =	simm.s32 $0x10;
	v5 =	vsub.s32 $0x5F3759DF, v2  }
0x16: {  	v1 =	vld [tilespmem:s12+$0x200];
	v2 =	vmul.f32 v5, v3;
	_ =	sdelay $0x1  }
0x17: {  	v6 =	vmul.f32 v5, v2;
	_ =	sdelay $0x1  }
0x18: {  	s14 =	simm.s32 $0x20;
	v6 =	vsub.f32 $1.500000000e+00, v6  }
0x19: {  	v7 =	vshra.s32 v1, $0x1;
	v4 =	vmul.f32 $5.000000000e-01, v1;
	v2 =	vld [tilespmem:s14+$0x200]  }
0x1a: {  	v8 =	vsub.s32 $0x5F3759DF, v7;
	v5 =	vmul.f32 v5, v6  }
0x1b: {  	v7 =	vmul.f32 v8, v4  }
0x1c: {  	v3 =	vmul.f32 v5, v3  }
0x1d: {  	s15 =	simm.s32 $0x30;
	v9 =	vmul.f32 v8, v7  }
0x1e: {  	v7 =	vshra.s32 v2, $0x1;
	v6 =	vmul.f32 $5.000000000e-01, v2;
	v10 =	vmul.f32 v3, v5;
	v3 =	vld [tilespmem:s15+$0x200]  }
0x1f: {  	v9 =	vsub.f32 $1.500000000e+00, v9;
	v7 =	vsub.s32 $0x5F3759DF, v7  }
0x20: {  	v11 =	vmul.f32 v7, v6  }
0x21: {  	v8 =	vmul.f32 v8, v9;
	v9 =	vsub.f32 $1.500000000e+00, v10  }
0x22: {  	s16 =	simm.s32 $0x100;
	v10 =	vmul.f32 v7, v11  }
.LBB2_2:
0x23: {  	s17 =	sshra.s32 s16, $0x2;
	v11 =	vshra.s32 v3, $0x1;
	v12 =	vmul.f32 v8, v4;
	v9 =	vmul.f32 v9, v5;
	v13 =	vmovc v3;
	v4 =	vmovc v6;
	p0 =	sne.s32 s16, $0x7C0  }
.Ltmp0:
0x24: {  	v5 =	vmov v8;
	v3 =	vld [tilespmem:s17+$0x200];
	v11 =	vsub.s32 $0x5F3759DF, v11;
	v6 =	vmul.f32 $5.000000000e-01, v13;
	(pc) =	sbr.rel @p0 .LBB2_2-.Ltmp0, $4  }
0x25: {  	s16 =	sadd.s32 $0x40, s16;
	v8 =	vsub.f32 $1.500000000e+00, v10;
	v10 =	vmul.f32 v12, v5;
	v12 =	vmul.f32 v9, v0;
	v0 =	vmovc v1;
	v1 =	vmovc v2  }
0x26: {  	v2 =	vmov v13;
	v14 =	vmul.f32 v11, v6  }
0x27: {  	v8 =	vmul.f32 v7, v8;
	v7 =	vmov v11;
	v9 =	vsub.f32 $1.500000000e+00, v10;
	[tilespmem:s13+$0x400] =	vst v12;
	s13 =	smov.u32 s12;
	s12 =	smov.u32 s14;
	s14 =	smov.u32 s15  }
0x28: {  	s15 =	smov.u32 s17;
	v10 =	vmul.f32 v7, v14  }
0x29: {  	v11 =	vshra.s32 v3, $0x1;
	v12 =	vmul.f32 $5.000000000e-01, v3  }
0x2a: {  	v11 =	vsub.s32 $0x5F3759DF, v11  }
0x2b: {  	v13 =	vmul.f32 v11, v12;
	_ =	sdelay $0x1  }
0x2c: {  	v13 =	vmul.f32 v11, v13  }
0x2d: {  	v10 =	vsub.f32 $1.500000000e+00, v10  }
0x2e: {  	v13 =	vsub.f32 $1.500000000e+00, v13  }
0x2f: {  	v7 =	vmul.f32 v7, v10  }
0x30: {  	v4 =	vmul.f32 v8, v4;
	v58 =	vmul.f32 v11, v13  }
0x31: {  	v6 =	vmul.f32 v7, v6  }
0x32: {  	v4 =	vmul.f32 v4, v8;
	v11 =	vmul.f32 v58, v12  }
0x33: {  	v6 =	vmul.f32 v6, v7  }
0x34: {  	v4 =	vsub.f32 $1.500000000e+00, v4;
	v11 =	vmul.f32 v11, v58  }
0x35: {  	v5 =	vmul.f32 v9, v5;
	v6 =	vsub.f32 $1.500000000e+00, v6  }
0x36: {  	v4 =	vmul.f32 v4, v8;
	v59 =	vsub.f32 $1.500000000e+00, v11  }
0x37: {  	v0 =	vmul.f32 v5, v0;
	v60 =	vmul.f32 v6, v7  }
0x38: {  	v1 =	vmul.f32 v4, v1;
	v61 =	vmul.f32 v59, v58  }
0x39: {  	[tilespmem:s13+$0x400] =	vst v0;
	v62 =	vmul.f32 v60, v2  }
0x3a: {  	s11 =	sadd.s32 $0x1, s11;
	[tilespmem:s12+$0x400] =	vst v1;
	v63 =	vmul.f32 v61, v3  }
0x3b: {  	p0 =	sne.s32 s11, s6;
	[tilespmem:s14+$0x400] =	vst v62  }
.Ltmp1:
0x3c: {  	[tilespmem:s15+$0x400] =	vst v63;
	(pc) =	sbr.rel @p0 .LBB2_1-.Ltmp1, $4  }
0x3d: {  	[hbm4b:s5+s3] =	stream.linear.scatter [tilespmem:s10], [sflag:$0x2], $0x200, $0x38;
	[tilespmem:$0x600] =	vst v63  }
0x3e: {  	_ =	swait.ge [sflag:s7], $0x200  }
0x3f: {  	[sflag:s7] =	ssyncset.done $0x0  }
0x40: {  	[sflag:s7] =	ssyncadd.s32 $0xFFFFFE00  }
0x41: {  	_ =	sfence.sel $0x180000  }
0x42: {  	[bflag:$0x0] =	sbarrier.arrive $0xFFFF  }
0x43: {  	p0 =	sne.s32 s2, $0x0;
	_ =	strace $0x90000047  }
0x44: {  	s0 =	sadd.s32 @!p0 $0x100000, s0;
	[bflag:$0x2] =	sbarrier.arrive $0xFFFF  }
0x45: {  	[sflag:s0] =	ssyncadd.tile.s32 @!p0 $0x1;
	_ =	shalt  }
.Lfunc_end2:
_tile_overlayer_lowered:
.L_overlay_start_2:
0x46: {  	(tag) =	ssettag $0x2  }
0x47: {  	s0 =	rddreg [dreg:$0x0];
	s2 =	stileid.u32  }
0x48: {  	s1 =	rddreg [dreg:$0x1];
	p0 =	sne.s32 s2, $0x0  }
0x49: {  	s3 =	rddreg [dreg:$0x2];
	[bflag:$0x3] =	sbarrier.arrive $0xFFFF;
	s2 =	simm.s32 @!p0 $0x1C02  }
0x4a: {  	[timem:s3], [sflag:s2] =	dma.local @!p0 [hbm:s0], s1  }
0x4b: {  	s0 =	simm.s32 @!p0 $0x2  }
0x4c: {  	_ =	swait.ge @!p0 [sflag:s0], s1  }
0x4d: {  	s1 =	ssub.s32 @!p0 $0x0, s1;
	[sflag:s0] =	ssyncset.done @!p0 $0x0  }
0x4e: {  	[sflag:s0] =	ssyncadd.s32 @!p0 s1  }
0x4f: {  	[bflag:$0x3] =	sbarrier.arrive $0xFFFF  }
0x50: {  	_ =	shalt  }

</sc_bundles>
